<compile_context>
chip_gen: v7x
topology: tpu7x:2x2x1
jax: 0.10.2.dev20260603
libtpu: 0.0.44.dev20260713+nightly
codegen_flags: <defaults>
</compile_context>

<pallas_src>
import jax
import jax.numpy as jnp
from jax.experimental import pallas as pl

EMBED = 16
VOCAB = 32
ROW_BLK = 512


def _body(x_ref, we_ref, rs_ref, emb_ref, lp_ref):
    amp = (x_ref[...] * 2 - 1).astype(jnp.float32)
    emb_ref[...] = jnp.dot(amp, we_ref[...], preferred_element_type=jnp.float32)
    lp_ref[...] = amp * rs_ref[...]


def kernel(binary_input, W):
    B, S, L = binary_input.shape
    H = W.shape[1]
    R = B * S
    x2d = binary_input.reshape(R, L)
    w_expanded = (jnp.eye(L, dtype=W.dtype)[:, :, None] * W[None, :, :]).reshape(L, L * H)
    rowsum = jnp.sum(W, axis=1, keepdims=True).T

    grid = (R // ROW_BLK,)
    emb2d, lp2d = pl.pallas_call(
        _body,
        grid=grid,
        in_specs=[
            pl.BlockSpec((ROW_BLK, L), lambda i: (i, 0)),
            pl.BlockSpec((L, L * H), lambda i: (0, 0)),
            pl.BlockSpec((1, L), lambda i: (0, 0)),
        ],
        out_specs=[
            pl.BlockSpec((ROW_BLK, L * H), lambda i: (i, 0)),
            pl.BlockSpec((ROW_BLK, L), lambda i: (i, 0)),
        ],
        out_shape=[
            jax.ShapeDtypeStruct((R, L * H), jnp.float32),
            jax.ShapeDtypeStruct((R, L), jnp.float32),
        ],
    )(x2d, w_expanded, rowsum)

    emb = emb2d.reshape(B, S, L, H)
    lp = lp2d.reshape(B, S, L, 1)
    return (emb, lp)

# --- scband reference (transcript-rebuilt; emitter-appended) ---
"""Pipeline reference for scband-binary-embedding-67688684585260 (READ-ONLY COPY).

The authoritative reference and input builder live on the scoring server;
editing this copy changes nothing except your own understanding.
"""

import jax, jax.numpy as jnp
import numpy as np

EMBED_SIZE = 16
VOCAB_SIZE = 32

def setup_inputs(seed: int = 0) -> dict:
    key = jax.random.key(seed)
    k1, k2 = jax.random.split(key)
    binary_input = jax.random.randint(k1, (1024, 50, 32), 0, 2, dtype=jnp.int32)
    W = jax.random.normal(k2, (VOCAB_SIZE, EMBED_SIZE), dtype=jnp.float32)
    return {"binary_input": binary_input, "W": W}

def reference(binary_input, W):
    # 3D input path: view to (batch*seq, bin_len)
    B, S, L = binary_input.shape
    flat = binary_input.reshape(B * S, L)
    # amplitude: {0,1} -> {-1,+1}
    amplitude = (flat * 2 - 1).astype(jnp.float32)
    # position indices arange(bin_len) repeated for every row
    pos = jnp.broadcast_to(jnp.arange(L, dtype=jnp.int32), (B * S, L))
    # embedding gather: (B*S, L, H)
    base = jnp.take(W, pos, axis=0)
    emb = base * amplitude[:, :, None]
    # sum over hidden dim (dim=2), keepdim
    lp = jnp.sum(emb, axis=2, keepdims=True)
    # batch_size > 1: reshape back
    emb = emb.reshape(B, S, L, W.shape[1])
    lp = lp.reshape(B, S, L, 1)
    return (emb, lp)

if __name__ == "__main__":
    import jax
    _d = setup_inputs()
    print(jax.jit(kernel)(*tuple(_d.values())))

</pallas_src>

<mosaic_0001>
module attributes {stable_mosaic.version = 14 : i64} {
  func.func @_body(%arg0: i32, %arg1: memref<512x32xi32, #tpu.memory_space<vmem>>, %arg2: memref<32x512xf32, #tpu.memory_space<vmem>>, %arg3: memref<1x32xf32, #tpu.memory_space<vmem>>, %arg4: memref<512x512xf32, #tpu.memory_space<vmem>>, %arg5: memref<512x32xf32, #tpu.memory_space<vmem>>) attributes {dimension_semantics = [#tpu.dimension_semantics<arbitrary>], iteration_bounds = array<i64: 100>, scalar_prefetch = 0 : i64, scratch_operands = 0 : i64, tpu.core_type = #tpu.core_type<tc>, window_params = [{transform_indices = @transform_0, window_bounds = array<i64: 512, 32>}, {pipeline_mode = #tpu.pipeline_mode<synchronous>, transform_indices = @transform_1, window_bounds = array<i64: 32, 512>}, {pipeline_mode = #tpu.pipeline_mode<synchronous>, transform_indices = @transform_2, window_bounds = array<i64: 1, 32>}, {transform_indices = @transform_3, window_bounds = array<i64: 512, 512>}, {transform_indices = @transform_4, window_bounds = array<i64: 512, 32>}]} {
    %get3A = arith.constant 0 : index
    %get3A_0 = arith.constant 0 : index
    %get3A_1 = vector.load %arg1[%get3A, %get3A_0] : memref<512x32xi32, #tpu.memory_space<vmem>>, vector<512x32xi32>
    %mul3A = arith.constant 2 : i32
    %mul3A_2 = vector.broadcast %mul3A : i32 to vector<512x32xi32>
    %mul3A_3 = arith.muli %get3A_1, %mul3A_2 : vector<512x32xi32>
    %sub3A = arith.constant 1 : i32
    %sub3A_4 = vector.broadcast %sub3A : i32 to vector<512x32xi32>
    %sub3A_5 = arith.subi %mul3A_3, %sub3A_4 : vector<512x32xi32>
    %convert_element_type3A = arith.sitofp %sub3A_5 : vector<512x32xi32> to vector<512x32xf32>
    %get3A_6 = arith.constant 0 : index
    %get3A_7 = arith.constant 0 : index
    %get3A_8 = vector.load %arg2[%get3A_6, %get3A_7] : memref<32x512xf32, #tpu.memory_space<vmem>>, vector<32x512xf32>
    %dot_general3A = arith.constant dense<0.000000e+00> : vector<512x512xf32>
    %dot_general3A_9 = tpu.matmul %convert_element_type3A, %get3A_8, %dot_general3A {dimension_numbers = #tpu.dot_dimension_numbers<[1], [0], [0], [1], [0, 0, 1, 1], [], []>, transpose_lhs_hint = false} : vector<512x32xf32>, vector<32x512xf32>, vector<512x512xf32> -> vector<512x512xf32>
    %swap3A = arith.constant 0 : index
    %swap3A_10 = arith.constant 0 : index
    %swap3A_11 = vector.load %arg4[%swap3A, %swap3A_10] : memref<512x512xf32, #tpu.memory_space<vmem>>, vector<512x512xf32>
    tpu.vector_store %arg4[%swap3A, %swap3A_10], %dot_general3A_9 {strides = array<i32>} : memref<512x512xf32, #tpu.memory_space<vmem>>, vector<512x512xf32>,
    %get3A_12 = arith.constant 0 : index
    %get3A_13 = arith.constant 0 : index
    %get3A_14 = vector.load %arg3[%get3A_12, %get3A_13] : memref<1x32xf32, #tpu.memory_space<vmem>>, vector<1x32xf32>
    %mul3A_15 = vector.broadcast %get3A_14 : vector<1x32xf32> to vector<512x32xf32>
    %mul3A_16 = arith.mulf %convert_element_type3A, %mul3A_15 : vector<512x32xf32>
    %swap3A_17 = arith.constant 0 : index
    %swap3A_18 = arith.constant 0 : index
    %swap3A_19 = vector.load %arg5[%swap3A_17, %swap3A_18] : memref<512x32xf32, #tpu.memory_space<vmem>>, vector<512x32xf32>
    tpu.vector_store %arg5[%swap3A_17, %swap3A_18], %mul3A_16 {strides = array<i32>} : memref<512x32xf32, #tpu.memory_space<vmem>>, vector<512x32xf32>,
    return
  }
  func.func @transform_0(%arg0: i32) -> (i32, i32) {
    %c0_i32 = arith.constant 0 : i32
    %c0_i32_0 = arith.constant 0 : i32
    return %arg0, %c0_i32 : i32, i32
  }
  func.func @transform_1(%arg0: i32) -> (i32, i32) {
    %c0_i32 = arith.constant 0 : i32
    %c0_i32_0 = arith.constant 0 : i32
    %c0_i32_1 = arith.constant 0 : i32
    return %c0_i32, %c0_i32_0 : i32, i32
  }
  func.func @transform_2(%arg0: i32) -> (i32, i32) {
    %c0_i32 = arith.constant 0 : i32
    %c0_i32_0 = arith.constant 0 : i32
    %c0_i32_1 = arith.constant 0 : i32
    return %c0_i32, %c0_i32_0 : i32, i32
  }
  func.func @transform_3(%arg0: i32) -> (i32, i32) {
    %c0_i32 = arith.constant 0 : i32
    %c0_i32_0 = arith.constant 0 : i32
    return %arg0, %c0_i32 : i32, i32
  }
  func.func @transform_4(%arg0: i32) -> (i32, i32) {
    %c0_i32 = arith.constant 0 : i32
    %c0_i32_0 = arith.constant 0 : i32
    return %arg0, %c0_i32 : i32, i32
  }
}

</mosaic_0001>

<sc_bundles>
// kernel: sparse-core-data-format-call.cloned.1.call-start
scs
called_computation_lowered:
.L_overlay_start_0:
0x0: {  	s2 =	sld [smem:$0x3FD9]  }
0x1: {  	s3 =	sld [smem:$0x3FFE];
	_ =	sdelay $0x1  }
0x2: {  	s1 =	srdreg.scid  }
0x3: {  	s0 =	sand.u32 $0x1, s1  }
0x4: {  	s15 =	sshll.u32 s0, $0xA;
	s2 =	sadd.s32 s3, s2  }
0x5: {  	s2 =	sadd.s32 s2, s15  }
0x6: {  	[smem:$0x3FC6] =	sst s2  }
0x7: {  	_ = 	snop  }
0x8: {  	s2 =	sld [smem:$0x3FD0];
	_ =	sdelay $0x2  }
0x9: {  	s16 =	simm.s32 $0xA;
	s4 =	simm.s32 $0x10  }
0xa: {  	[smem:s4], [sflag:s16] =	dma.local [hbm:s2], $0x1  }
0xb: {  	_ =	swait.eq [sflag:s16], $0x1  }
0xc: {  	[sflag:s16] =	ssyncset.done $0x0  }
0xd: {  	[sflag:s16] =	ssyncadd.s32 $0xFFFFFFFF  }
0xe: {  	s17 =	sld [smem:$0x10];
	(tm) =	ssettm $0x1  }
0xf: {  	s18 =	sld [smem:$0x3FFB];
	_ =	sdelay $0x3  }
0x10: {  	_ =	strace s18  }
0x11: {  	s3 =	sld [smem:$0x3FFC];
	_ =	sdelay $0x3  }
0x12: {  	_ =	strace s3  }
0x13: {  	s3 =	sld [smem:$0x3FFD];
	_ =	sdelay $0x3  }
0x14: {  	_ =	strace s3  }
0x15: {  	_ =	strace $0x8FFFFFFF  }
0x16: {  	s19 =	sld [smem:$0x3FDB];
	_ =	sdelay $0x1  }
0x17: {  	s20 =	simm.s32 $_scs_section_size  }
0x18: {  	s5 =	simm.s32 $_size__tile_overlayer_lowered;
	s6 =	simm.s32 $_tile_overlayer_lowered  }
0x19: {  	s23 =	simm.s32 $0x1BFF;
	s22 =	sshll.u32 s6, $0x1;
	s3 =	sadd.s32 s20, s19  }
0x1a: {  	s7 =	simm.s32 $0x0;
	s21 =	sshll.u32 s5, $0x1;
	s5 =	sadd.s32 s22, s3  }
0x1b: {  	[timem:s7], [sflag:s23] =	dma.local [hbm:s5], s21  }
0x1c: {  	_ =	swait.ge [sflag:s23], s21  }
0x1d: {  	s4 =	ssub.s32 $0x0, s21;
	[sflag:s23] =	ssyncset.done $0x0  }
0x1e: {  	[sflag:s23] =	ssyncadd.s32 s4;
	_ =	sdelay $0x1  }
0x1f: {  	s24 =	simm.s32 $0x1B8B  }
0x20: {  	_ =	swait.ge [sflag:s24], $0x1  }
0x21: {  	[sflag:s24] =	ssyncset.done $0x0  }
0x22: {  	s26 =	simm.s32 $0x1B8E;
	s25 =	sld [smem:$0x3FFE];
	[sflag:s24] =	ssyncadd.s32 $0xFFFFFFFF  }
0x23: {  	s27 =	simm.s32 $execute0_lowered;
	[smem:$0x3FD2] =	sst s26  }
0x24: {  	s5 =	sshll.u32 s27, $0x1;
	_ =	strace $0x80000046;
	[dreg:$0x1] =	wrdreg $0xFFFFFFFF  }
0x25: {  	s28 =	simm.s32 $_size_execute0_lowered;
	s3 =	sadd.s32 s3, s5;
	[dreg:$0x0] =	wrdreg $0x0  }
0x26: {  	s5 =	sshll.u32 s28, $0x1;
	[dreg:$0x2] =	wrdreg s3  }
0x27: {  	[dreg:$0x3] =	wrdreg s5  }
0x28: {  	[dreg:$0x4] =	wrdreg $0xC0  }
0x29: {  	_ =	task [dreg:s7], $0x5FFFF  }
0x2a: {  	[dreg:$0x1] =	wrdreg $0xFFFFFFFF  }
0x2b: {  	[dreg:$0x0] =	wrdreg $0x60  }
0x2c: {  	[dreg:$0x2] =	wrdreg s25  }
0x2d: {  	[dreg:$0x3] =	wrdreg s17  }
0x2e: {  	[dreg:$0x4] =	wrdreg $0x9  }
0x2f: {  	_ =	task.clear_ibuf [dreg:s7], $0x5FFFF;
	_ =	strace $0x90000046  }
0x30: {  	s29 =	simm.s32 $0x9;
	_ =	strace $0x80000048  }
0x31: {  	_ =	swait.ge [sflag:s29], $0x1  }
0x32: {  	[sflag:s29] =	ssyncadd.s32 $0xFFFFFFFF  }
0x33: {  	_ =	strace $0x90000048  }
0x34: {  	_ =	sfence  }
0x35: {  	s30 =	sld [smem:$0x0];
	_ =	sdelay $0x2  }
0x36: {  	s31 =	sshll.u32 s1, $0xD;
	s1 =	sshrl.u32 s1, $0x2  }
0x37: {  	s3 =	sand.u32 $0x4000, s31;
	s1 =	sadd.s32 s1, s30  }
0x38: {  	s0 =	sor.u32 s3, s0;
	s1 =	sshll.u32 s1, $0x11  }
0x39: {  	s0 =	sor.u32 s1, s0  }
0x3a: {  	s0 =	sadd.s32 $0x8F2B, s0  }
0x3b: {  	[sflag:s0] =	ssyncadd.remote.s32 $0x1  }
0x3c: {  	_ =	sfence.sel $0xFFFF  }
0x3d: {  	[dreg:$0x0] =	wrdreg $0xFFFFFFFF;
	(pc) =	sbr.abs _section_cstart, $3  }
0x3e: {  	[dreg:$0x1] =	wrdreg $0xFFFFFFFF  }
0x3f: {  	_ =	task.clear_ibuf [dreg:s7], $0x2FFFF;
	_ =	strace $0x9FFFFFFF  }
0x40: {  	(tm) =	ssettm $0x7FFFFFFF  }
0x41: {  	_ =	shalt  }
tec
execute0_lowered:
.L_overlay_start_1:
0x0: {  	(tag) =	ssettag $0x1  }
0x1: {  	s6 =	rddreg [dreg:$0x0]  }
0x2: {  	s2 =	rddreg [dreg:$0x1]  }
0x3: {  	s0 =	rddreg [dreg:$0x2];
	_ =	strace $0x80000047  }
0x4: {  	s3 =	srdreg.scid;
	s1 =	stileid.u32;
	s7 =	simm.s32 $0x2  }
0x5: {  	s15 =	simm.s32 $0x0;
	p0 =	por $0x0, $0x0;
	s16 =	simm.s32 $0x0  }
0x6: {  	s17 =	simm.s32 $0x0;
	s8 =	simm.s32 $0x0;
	s10 =	simm.s32 $0x0  }
.Ltmp0:
0x7: {  	s11 =	simm.s32 $0x0;
	s12 =	simm.s32 $0x0;
	(pc) =	sbr.rel .LBB1_1-.Ltmp0, $4  }
0x8: {  	s13 =	simm.s32 $0x0;
	s4 =	sshll.u32 s3, $0x4;
	s3 =	simm.s32 $0x1  }
0x9: {  	s9 =	simm.s32 $0x0;
	s5 =	sand.u32 $0x10, s4;
	[sflag:s3] =	ssyncpa.u1 $0x0  }
0xa: {  	s4 =	sadd.s32 $0x4B0400, s6;
	s6 =	sadd.s32 $0x4B4400, s6;
	s5 =	sor.u32 s1, s5  }
0xb: {  	[sflag:s7] =	ssyncpa.u1 $0x0;
	s7 =	simm.s32 $0x80000;
	s14 =	smov.u32 s5  }
.LBB1_7:
0xc: {  	p1 =	slt.u32 s9, $0x2  }
0xd: {  	s18 =	smov.u32 s17;
	p2 =	sgt.s32 @!p1 s17, $0x1F;
	s19 =	sshra.s32 @!p1 s17, $0x1F  }
0xe: {  	p3 =	sgt.s32 @!p1 s15, $0x380;
	p2 =	por !p2, p1;
	s17 =	sand.u32 @!p1 s19, s17  }
0xf: {  	s19 =	sshra.s32 @!p1 s16, $0x1F;
	s18 =	simm.s32 @p2 $0x1F;
	p2 =	sgt.s32 @!p1 s16, $0xE  }
0x10: {  	s17 =	ssub.s32 @!p1 s18, s17;
	p2 =	por !p2, p1;
	s18 =	smov.u32 s16  }
0x11: {  	p3 =	por !p3, p1;
	s16 =	sand.u32 @!p1 s19, s16;
	s18 =	simm.s32 @p2 $0xE  }
0x12: {  	s19 =	sadd.s32 @!p1 $0xFFFFFFE1, s17;
	s17 =	ssub.s32 @!p1 $0x20, s17;
	s16 =	ssub.s32 @!p1 s18, s16  }
0x13: {  	p2 =	sgt.s32 @!p1 s19, $0x0;
	s19 =	smov.u32 s15;
	s18 =	sadd.s32 @!p1 $0xFFFFFFF2, s16  }
0x14: {  	s19 =	simm.s32 @p3 $0x380;
	p3 =	sgt.s32 @!p1 s18, $0x1;
	s18 =	sshra.s32 @!p1 s15, $0x1F  }
0x15: {  	s17 =	smul.u32 @!p1 $0x32, s17;
	p2 =	por !p2, p1;
	s15 =	sand.u32 @!p1 s18, s15  }
0x16: {  	s16 =	ssub.s32 @!p1 $0x10, s16;
	p3 =	por !p3, p1;
	s15 =	ssub.s32 @!p1 s19, s15  }
0x17: {  	s17 =	simm.s32 @!p2 $0x0;
	s16 =	simm.s32 @!p3 $0x0;
	s18 =	sadd.s32 @!p1 $0xFFFFFC80, s15  }
0x18: {  	s19 =	smov.u32 s13;
	s16 =	smul.u32 @!p1 s16, s17;
	p2 =	sgt.s32 @!p1 s18, $0x7F  }
0x19: {  	s15 =	ssub.s32 @!p1 $0x400, s15;
	s18 =	sadd.s32 $0x80, s12;
	p2 =	por !p2, p1  }
0x1a: {  	s17 =	sadd.s32 $0x2, s13;
	s15 =	simm.s32 @!p2 $0x0;
	p2 =	sgt.s32 s18, $0x3FF  }
0x1b: {  	s20 =	smov.u32 s14;
	s19 =	smov.u32 @p2 s17  }
0x1c: {  	s15 =	smul.u32 @!p1 s15, s16;
	s16 =	sadd.s32 $0x20, s14;
	p3 =	sgt.s32 s19, $0xF  }
0x1d: {  	s9 =	sadd.s32 $0x1, s9;
	p0 =	por !p0, !p0;
	s20 =	smov.u32 @p3 s16  }
0x1e: {  	s21 =	simm.s32 @!p1 $0x2;
	s18 =	simm.s32 @p2 $0x0;
	p2 =	sgt.s32 s20, $0x1F  }
0x1f: {  	s17 =	smov.u32 s11;
	s20 =	smov.u32 @p2 s5;
	p2 =	sne.s32 s9, $0x42  }
.Ltmp1:
0x20: {  	s11 =	smov.u32 s14;
	s15 =	sand.u32 @!p1 $0x3FFFFFFE, s15;
	(pc) =	sbr.rel @!p2 .LBB1_8-.Ltmp1, $4  }
0x21: {  	s19 =	simm.s32 @p3 $0x0;
	s16 =	smov.u32 s10;
	s10 =	smov.u32 s13  }
0x22: {  	_ =	swait.ge @!p1 [sflag:s21], s15;
	s22 =	ssub.s32 @!p1 $0x0, s15;
	s15 =	smov.u32 s8  }
0x23: {  	s8 =	smov.u32 s12;
	s12 =	smov.u32 s18;
	[sflag:s21] =	ssyncset.done @!p1 $0x0  }
0x24: {  	s13 =	smov.u32 s19;
	[sflag:s21] =	ssyncadd.s32 @!p1 s22;
	s14 =	smov.u32 s20  }
.LBB1_1:
0x25: {  	p1 =	sgt.u32 s9, $0x3F  }
0x26: {  	s18 =	sxor.u32 @!p1 $0xFFFFFFFF, s9;
	s19 =	sshll.u32 @!p1 s14, $0x12  }
0x27: {  	s20 =	sshll.u32 @!p1 s13, $0xE;
	s22 =	sshll.u32 @!p1 s12, $0x4;
	s23 =	simm.s32 @!p1 $0x40  }
0x28: {  	s24 =	simm.s32 @!p1 $0x80;
	s18 =	sshll.u32 @!p1 s18, $0xE;
	s21 =	sadd.s32 @!p1 s19, s20  }
0x29: {  	s22 =	sand.u32 @!p1 $0x3FF0, s22;
	s19 =	sadd.s32 @!p1 s19, s6;
	s21 =	sadd.s32 @!p1 s4, s21  }
0x2a: {  	s18 =	sand.u32 @!p1 $0x4000, s18;
	s19 =	sadd.s32 @!p1 s20, s19;
	s21 =	sadd.s32 @!p1 s22, s21  }
0x2b: {  	[tilespmem:s18], [sflag:$0x1] =	stream.strided.gather @!p1 [hbm4b:s21+s23], $0x2000, s24, s23, $0x38;
	[tilespmem:$0x10100] =	vst v63  }
0x2c: {  	s19 =	sadd.s32 @!p1 s22, s19;
	s18 =	sor.u32 @!p1 $0x2000, s18  }
0x2d: {  	[tilespmem:s18], [sflag:$0x1] =	stream.strided.gather @!p1 [hbm4b:s19+s23], $0x2000, s24, s23, $0x38;
	[tilespmem:$0x10100] =	vst v63  }
0x2e: {  	p1 =	seq.s32 s9, $0x0  }
0x2f: {  	p2 =	seq.s32 @!p1 s9, $0x41  }
0x30: {  	p1 =	por p1, p2  }
.Ltmp2:
0x31: {  	_ = 	snop;
	(pc) =	sbr.rel @p1 .LBB1_7-.Ltmp2, $1  }
0x32: {  	_ =	sdelay $0x3  }
0x33: {  	s18 =	simm.s32 $0x1;
	s20 =	sand.u32 $0x1, s9  }
0x34: {  	_ =	swait.ge [sflag:s3], $0x4000;
	s18 =	simm.s32 @!p0 $0x0;
	s20 =	smul.u32 $0x10200, s20  }
0x35: {  	p2 =	por $0x1, $0x1;
	[sflag:s3] =	ssyncset.done $0x0;
	s19 =	smul.u32 $0x10200, s18  }
0x36: {  	s21 =	sshll.u32 s18, $0x10;
	[sflag:s3] =	ssyncadd.s32 $0xFFFFC000;
	s30 =	sshrl.u32 s20, $0x2  }
0x37: {  	s31 =	sshrl.u32 s21, $0x2;
	s21 =	simm.s32 $0x0;
	s19 =	sshrl.u32 s19, $0x2  }
0x38: {  	s18 =	sor.u32 $0x8000, s30;
	s20 =	sadd.s32 $0x20, s31;
	s19 =	sor.u32 $0x8000, s19  }
.LBB1_3:
0x39: {  	s22 =	sshll.u32 s21, $0xD  }
0x3a: {  	s22 =	sand.u32 $0x3FFFE000, s22  }
0x3b: {  	s24 =	sadd.s32 s22, s20  }
0x3c: {  	s31 =	smul.u32 $0x204, s21;
	v3 =	vld [tilespmem:s24+$0x10]  }
0x3d: {  	v1 =	vld [tilespmem:s24+$0xFFFFFFF0]  }
0x3e: {  	s21 =	sshra.s32 s31, $0x2;
	v0 =	vld [tilespmem:s24+$0x0]  }
0x3f: {  	s21 =	sadd.s32 s21, s19;
	v2 =	vld [tilespmem:s24+$0xFFFFFFE0]  }
0x40: {  	s22 =	sadd.s32 $0x0, s21  }
0x41: {  	p1 =	por p2, p2;
	s23 =	simm.s32 $0x4;
	s24 =	sadd.s32 $0x40, s24;
	[tilespmem:s22+$0x3060 ss:$0x102] =	vst.msk $0xffff, v3  }
.LBB1_4:
0x42: {  	v3 =	vld [tilespmem:s24+$0x10];
	p2 =	sne.s32 s23, $0x1FC;
	[tilespmem:s22+$0x1020 ss:$0x102] =	vst.msk $0xffff, v1;
	s25 =	smov.u32 s23;
	s23 =	sadd.s32 $0x4, s23  }
.Ltmp3:
0x43: {  	v1 =	vld [tilespmem:s24+$0xFFFFFFF0];
	[tilespmem:s22+$0x2040 ss:$0x102] =	vst.msk $0xffff, v0;
	(pc) =	sbr.rel @p2 .LBB1_4-.Ltmp3, $4  }
0x44: {  	v0 =	vld [tilespmem:s24+$0x0];
	[tilespmem:s22+$0x0 ss:$0x102] =	vst.msk $0xffff, v2  }
0x45: {  	s22 =	sshra.s32 s25, $0x2;
	v2 =	vld [tilespmem:s24+$0xFFFFFFE0]  }
0x46: {  	s22 =	sadd.s32 s22, s21  }
0x47: {  	s24 =	sadd.s32 $0x40, s24;
	[tilespmem:s22+$0x3060 ss:$0x102] =	vst.msk $0xffff, v3  }
.Ltmp4:
0x48: {  	(pc) =	sbr.rel @p1 .LBB1_3-.Ltmp4, $4  }
0x49: {  	_ = 	snop  }
0x4a: {  	[tilespmem:s22+$0x1020 ss:$0x102] =	vst.msk $0xffff, v1  }
0x4b: {  	[tilespmem:s22+$0x2040 ss:$0x102] =	vst.msk $0xffff, v0  }
0x4c: {  	s21 =	simm.s32 $0x1;
	p2 =	por $0x0, $0x0;
	[tilespmem:s22+$0x0 ss:$0x102] =	vst.msk $0xffff, v2  }
0x4d: {  	p1 =	sgt.s32 s11, $0x1F;
	s19 =	smov.u32 s11  }
0x4e: {  	s20 =	sshra.s32 s11, $0x1F;
	s21 =	smov.u32 s10;
	s22 =	sshra.s32 s10, $0x1F  }
0x4f: {  	s23 =	sshra.s32 s8, $0x1F;
	s25 =	sand.u32 $0x78, s8;
	s26 =	sshll.u32 s10, $0x7  }
0x50: {  	s29 =	sshll.u32 s11, $0xB;
	s19 =	simm.s32 @!p1 $0x1F;
	s20 =	sand.u32 s20, s11  }
0x51: {  	p1 =	sgt.s32 s10, $0xE;
	s30 =	sand.u32 s22, s10;
	s19 =	ssub.s32 s19, s20  }
0x52: {  	s24 =	sand.u32 s23, s8;
	s20 =	sadd.s32 $0xFFFFFFE1, s19;
	s19 =	ssub.s32 $0x20, s19  }
0x53: {  	s28 =	sand.u32 $0x380, s26;
	s21 =	simm.s32 @!p1 $0xE;
	s19 =	smul.u32 $0x32, s19  }
0x54: {  	s22 =	sand.u32 $0x400, s26;
	p1 =	sgt.s32 s20, $0x0;
	s20 =	ssub.s32 s21, s30  }
0x55: {  	s21 =	smov.u32 s8;
	s19 =	simm.s32 @p1 $0x0;
	p1 =	sgt.s32 s8, $0x380  }
0x56: {  	s22 =	sadd.s32 s8, s22;
	s31 =	sadd.s32 $0xFFFFFFF2, s20;
	s21 =	simm.s32 @!p1 $0x380  }
0x57: {  	s20 =	ssub.s32 $0x10, s20;
	p1 =	sgt.s32 s31, $0x1;
	s21 =	ssub.s32 s21, s24  }
0x58: {  	s30 =	sand.u32 $0x7, s8;
	s20 =	simm.s32 @p1 $0x0;
	s27 =	sadd.s32 $0xFFFFFC80, s21  }
0x59: {  	s19 =	smul.u32 s20, s19;
	s21 =	ssub.s32 $0x400, s21;
	p1 =	sgt.s32 s27, $0x7F  }
.Ltmp5:
0x5a: {  	s20 =	sor.u32 s25, s28;
	s21 =	simm.s32 @p1 $0x0;
	(pc) =	sbr.rel .LBB1_7-.Ltmp5, $4  }
0x5b: {  	s20 =	sshrl.u32 s20, $0x3;
	s19 =	smul.u32 s21, s19;
	s21 =	sadd.s32 s2, s29  }
0x5c: {  	s22 =	sand.u32 $0x780, s22;
	s31 =	sshll.u32 s30, $0x12;
	s20 =	sadd.s32 s20, s21  }
0x5d: {  	s21 =	sor.u32 $0x100, s31;
	s19 =	sand.u32 $0x3FFFFFFE, s19;
	s20 =	sadd.s32 s22, s20  }
0x5e: {  	[hbm4b:s20+s21] =	stream.strided.scatter [tilespmem:s18], [sflag:$0x2], s19, s7, s21, $0x20;
	[tilespmem:$0x10100] =	vst v63  }
.LBB1_8:
0x5f: {  	_ =	sfence.sel $0x180000  }
0x60: {  	s2 =	simm.s32 $0x1;
	[bflag:$0x0] =	sbarrier.arrive $0xFFFF  }
0x61: {  	s31 =	simm.s32 $0x2;
	[sflag:s2] =	ssyncpa.u1 $0x1  }
0x62: {  	[sflag:s31] =	ssyncpa.u1 $0x1  }
0x63: {  	p0 =	sne.s32 s1, $0x0;
	_ =	strace $0x90000047  }
0x64: {  	s0 =	sadd.s32 @!p0 $0x100000, s0;
	[bflag:$0x2] =	sbarrier.arrive $0xFFFF  }
0x65: {  	[sflag:s0] =	ssyncadd.tile.s32 @!p0 $0x1;
	_ =	shalt  }
.Lfunc_end1:
_tile_overlayer_lowered:
.L_overlay_start_2:
0x66: {  	(tag) =	ssettag $0x2  }
0x67: {  	s0 =	rddreg [dreg:$0x0];
	s2 =	stileid.u32  }
0x68: {  	s1 =	rddreg [dreg:$0x1];
	p0 =	sne.s32 s2, $0x0  }
0x69: {  	s3 =	rddreg [dreg:$0x2];
	[bflag:$0x3] =	sbarrier.arrive $0xFFFF;
	s2 =	simm.s32 @!p0 $0x1C01  }
0x6a: {  	[timem:s3], [sflag:s2] =	dma.local @!p0 [hbm:s0], s1  }
0x6b: {  	s0 =	simm.s32 @!p0 $0x1  }
0x6c: {  	_ =	swait.ge @!p0 [sflag:s0], s1  }
0x6d: {  	s1 =	ssub.s32 @!p0 $0x0, s1;
	[sflag:s0] =	ssyncset.done @!p0 $0x0  }
0x6e: {  	[sflag:s0] =	ssyncadd.s32 @!p0 s1  }
0x6f: {  	[bflag:$0x3] =	sbarrier.arrive $0xFFFF  }
0x70: {  	_ =	shalt  }

</sc_bundles>
